<compile_context>
chip_gen: v7x
topology: tpu7x:2x2x1
jax: 0.10.2.dev20260603
libtpu: 0.0.44.dev20260713+nightly
codegen_flags: <defaults>
</compile_context>

<pallas_src>
import functools

import jax
import jax.numpy as jnp
from jax import lax
from jax.experimental import pallas as pl
from jax.experimental.pallas import tpu as pltpu
from jax.experimental.pallas import tpu_sc as plsc

MEM = 8192
DIM = 256
BATCH = 4096
NT = 4
FD = NT * DIM
BB = 256
NB = BATCH // BB
POOL_EPS = 1e-6
BN_EPS = 1e-5


def _scores_body(st_ref, mem_ref, scores_ref, idx_ref):
    st = st_ref[...].reshape(BB, FD)
    r = None
    for t in range(NT):
        s_t = st[:, t * DIM:(t + 1) * DIM]
        w = (jnp.mean(s_t, axis=1, keepdims=True)
             + jnp.max(s_t, axis=1, keepdims=True) + POOL_EPS)
        r = s_t * w if r is None else r + s_t * w
    scores = lax.dot_general(
        r, mem_ref[...], (((1,), (1,)), ((), ())),
        preferred_element_type=jnp.float32,
        precision=lax.Precision.DEFAULT)
    scores_ref[...] = scores
    idx_ref[0, 0, :] = jnp.argmax(scores, axis=1).astype(jnp.int32)


def _bn_body(st_ref, sel_ref, bnw_ref, bnb_ref, out_ref, u_sc, sums_sc):
    i = pl.program_id(0)

    @pl.when(i == 0)
    def _init():
        sums_sc[...] = jnp.zeros((2 * NT, DIM), jnp.float32)

    @pl.when(i < NB)
    def _accumulate():
        wsel = 0.6 + 0.4 * sel_ref[...]
        st = st_ref[...].reshape(BB, FD)
        base = i * BB
        ones = jnp.ones((1, BB), jnp.float32)
        for t in range(NT):
            u_t = st[:, t * DIM:(t + 1) * DIM] * wsel
            u_sc[pl.ds(base, BB), t * DIM:(t + 1) * DIM] = u_t
            sums_sc[t:t + 1, :] += jax.lax.dot_general(
                ones, u_t, (((1,), (0,)), ((), ())),
                preferred_element_type=jnp.float32,
                precision=lax.Precision.HIGHEST)
            sums_sc[NT + t:NT + t + 1, :] += jax.lax.dot_general(
                ones, u_t * u_t, (((1,), (0,)), ((), ())),
                preferred_element_type=jnp.float32,
                precision=lax.Precision.HIGHEST)

    @pl.when(i >= NB)
    def _normalize():
        n = float(BATCH * DIM)
        mean = jnp.sum(sums_sc[0:NT, :], axis=1, keepdims=True) / n
        ex2 = jnp.sum(sums_sc[NT:2 * NT, :], axis=1, keepdims=True) / n
        var = ex2 - mean * mean
        scale = bnw_ref[...] * lax.rsqrt(var + BN_EPS)
        shift = bnb_ref[...] - mean * scale
        base = (i - NB) * BB
        cols = []
        for t in range(NT):
            u_t = u_sc[pl.ds(base, BB), t * DIM:(t + 1) * DIM]
            cols.append(u_t * scale[t:t + 1, 0:1] + shift[t:t + 1, 0:1])
        out_ref[...] = jnp.concatenate(cols, axis=1).reshape(BB, NT, DIM)


def _build_sc_gather():
    info = plsc.get_sparse_core_info()
    nw = info.num_cores * info.num_subcores
    bpw = BATCH // nw
    mesh = plsc.VectorSubcoreMesh(core_axis_name="c", subcore_axis_name="s")

    @functools.partial(
        pl.kernel, mesh=mesh,
        out_type=jax.ShapeDtypeStruct((BATCH, DIM), jnp.float32),
        scratch_types=[
            pltpu.VMEM((bpw,), jnp.int32),
            pltpu.VMEM((bpw, DIM), jnp.float32),
            pltpu.SemaphoreType.DMA,
        ],
    )
    def gather(table_hbm, idx_hbm, out_hbm, idx_v, rows_v, sem):
        wid = lax.axis_index("s") * info.num_cores + lax.axis_index("c")
        base = wid * bpw
        pltpu.sync_copy(idx_hbm.at[pl.ds(base, bpw)], idx_v)
        pltpu.async_copy(table_hbm.at[idx_v], rows_v, sem).wait()
        pltpu.sync_copy(rows_v, out_hbm.at[pl.ds(base, bpw)])

    return gather


def kernel(semantic_tokens, memory, bn_weight, bn_bias):
    scores, idx3 = pl.pallas_call(
        _scores_body,
        grid=(NB,),
        in_specs=[
            pl.BlockSpec((BB, NT, DIM), lambda i: (i, 0, 0)),
            pl.BlockSpec((MEM, DIM), lambda i: (0, 0)),
        ],
        out_specs=[
            pl.BlockSpec((BB, MEM), lambda i: (i, 0)),
            pl.BlockSpec((1, 1, BB), lambda i: (i, 0, 0)),
        ],
        out_shape=[
            jax.ShapeDtypeStruct((BATCH, MEM), jnp.float32),
            jax.ShapeDtypeStruct((NB, 1, BB), jnp.int32),
        ],
        compiler_params=pltpu.CompilerParams(
            dimension_semantics=("arbitrary",)),
    )(semantic_tokens, memory)
    idx = idx3.reshape(BATCH)

    mem_sel = _build_sc_gather()(memory, idx)

    out2 = pl.pallas_call(
        _bn_body,
        grid=(2 * NB,),
        in_specs=[
            pl.BlockSpec((BB, NT, DIM),
                         lambda i: (jnp.minimum(i, NB - 1), 0, 0)),
            pl.BlockSpec((BB, DIM), lambda i: (jnp.minimum(i, NB - 1), 0)),
            pl.BlockSpec((NT, 1), lambda i: (0, 0)),
            pl.BlockSpec((NT, 1), lambda i: (0, 0)),
        ],
        out_specs=pl.BlockSpec((BB, NT, DIM),
                               lambda i: (jnp.maximum(i - NB, 0), 0, 0)),
        out_shape=jax.ShapeDtypeStruct((BATCH, NT, DIM), jnp.float32),
        scratch_shapes=[
            pltpu.VMEM((BATCH, FD), jnp.float32),
            pltpu.VMEM((2 * NT, DIM), jnp.float32),
        ],
        compiler_params=pltpu.CompilerParams(
            dimension_semantics=("arbitrary",)),
    )(semantic_tokens, mem_sel, bn_weight[:, None], bn_bias[:, None])

    return (out2, idx, scores)

# --- scband reference (transcript-rebuilt; emitter-appended) ---
"""Pipeline reference for scband-memory-module-41274635714664 (READ-ONLY COPY).

The authoritative reference and input builder live on the scoring server;
editing this copy changes nothing except your own understanding.
"""

import jax, jax.numpy as jnp
import numpy as np

MEMORY_SIZE = 8192
TOKEN_DIM = 256
B = 4096
N_TOKENS = 4  # constrained by nn.BatchNorm1d(4) applied over the token axis


def setup_inputs(seed: int = 0) -> dict:
    key = jax.random.key(seed)
    k1, k2 = jax.random.split(key, 2)
    semantic_tokens = jax.random.normal(k1, (B, N_TOKENS, TOKEN_DIM), dtype=jnp.float32)
    # xavier_normal_ init for memory: std = sqrt(2 / (fan_in + fan_out))
    std = (2.0 / (MEMORY_SIZE + TOKEN_DIM)) ** 0.5
    memory = jax.random.normal(k2, (MEMORY_SIZE, TOKEN_DIM), dtype=jnp.float32) * std
    bn_weight = jnp.ones((N_TOKENS,), dtype=jnp.float32)
    bn_bias = jnp.zeros((N_TOKENS,), dtype=jnp.float32)
    return {
        "semantic_tokens": semantic_tokens,
        "memory": memory,
        "bn_weight": bn_weight,
        "bn_bias": bn_bias,
    }


def reference(semantic_tokens, memory, bn_weight, bn_bias):
    # AdaptiveAvgPool1d(1) / AdaptiveMaxPool1d(1) over the last dim -> [b, n_tokens, 1]
    ap = jnp.mean(semantic_tokens, axis=2, keepdims=True)
    mp = jnp.max(semantic_tokens, axis=2, keepdims=True)
    output = ap + mp + 1e-06
    # weighted token sum -> [b, token_dim]
    re_semantic_tokens = jnp.sum(semantic_tokens * output, axis=1)
    # attention against codebook memory -> [b, memory_size]
    attention_scores = re_semantic_tokens @ memory.T
    attention_scores = jnp.clip(attention_scores, -1000000.0, 1000000.0)
    category_indices = jnp.argmax(attention_scores, axis=1)
    # gather selected memory rows (vectorized form of the python loop)
    mem_sel = jnp.take(memory, category_indices, axis=0)  # [b, token_dim]
    updated = 0.4 * semantic_tokens * mem_sel[:, None, :] + 0.6 * semantic_tokens
    updated = jnp.where(jnp.isnan(updated), 0.0, updated)
    updated = jnp.where(jnp.isinf(updated), 0.0, updated)
    # BatchNorm1d(4) in training mode: stats over (batch, length) per channel (token axis)
    mean = jnp.mean(updated, axis=(0, 2))
    var = jnp.var(updated, axis=(0, 2))
    normed = (updated - mean[None, :, None]) / jnp.sqrt(var[None, :, None] + 1e-5)
    out = normed * bn_weight[None, :, None] + bn_bias[None, :, None]
    return (out, category_indices, attention_scores)

if __name__ == "__main__":
    import jax
    _d = setup_inputs()
    print(jax.jit(kernel)(*tuple(_d.values())))

</pallas_src>

<mosaic_0001>
#map = affine_map<(d0, d1) -> (0, 0)>
#map1 = affine_map<(d0, d1) -> (0)>
module attributes {stable_mosaic.version = 14 : i64} {
  func.func @gather(%arg0: i32, %arg1: i32, %arg2: memref<8192x256xf32, #tpu.memory_space<hbm>>, %arg3: memref<4096xi32, #tpu.memory_space<hbm>>, %arg4: memref<4096x256xf32, #tpu.memory_space<hbm>>, %arg5: memref<128xi32, #tpu.memory_space<vmem>>, %arg6: memref<128x256xf32, #tpu.memory_space<vmem>>, %arg7: memref<!tpu.dma_semaphore, #tpu.memory_space<semaphore_mem>>) attributes {dimension_semantics = [#tpu.dimension_semantics<core_parallel>, #tpu.dimension_semantics<subcore_parallel>], iteration_bounds = array<i64: 2, 16>, scalar_prefetch = 0 : i64, scratch_operands = 3 : i64, tpu.core_type = #tpu.core_type<sc_vector_subcore>, window_params = [{transform_indices = #map}, {transform_indices = #map1}, {transform_indices = #map}]} {
    %mul3A = arith.constant 2 : i32
    %mul3A_0 = arith.muli %arg1, %mul3A : i32
    %add3A = arith.addi %mul3A_0, %arg0 : i32
    %mul3A_1 = arith.constant 128 : i32
    %mul3A_2 = arith.muli %add3A, %mul3A_1 : i32
    "tpu.region"() ({
      %run_scoped3A = tpu.sem_alloc : memref<!tpu.dma_semaphore, #tpu.memory_space<semaphore_mem>>
      %dma_start3A_7 = tpu.memref_slice %arg3[%mul3A_2] : memref<4096xi32, #tpu.memory_space<hbm>> -> memref<128xi32, #tpu.memory_space<hbm>>
      %dma_start3A_8 = tpu.memref_slice %arg3[%mul3A_2] : memref<4096xi32, #tpu.memory_space<hbm>> -> memref<128xi32, #tpu.memory_space<hbm>>
      tpu.enqueue_dma source(%dma_start3A_8 : memref<128xi32, #tpu.memory_space<hbm>>) target(%arg5 : memref<128xi32, #tpu.memory_space<vmem>>) target_semaphore(%run_scoped3A : memref<!tpu.dma_semaphore, #tpu.memory_space<semaphore_mem>>)
      %dma_wait3A_9 = tpu.memref_slice %arg3[%mul3A_2] : memref<4096xi32, #tpu.memory_space<hbm>> -> memref<128xi32, #tpu.memory_space<hbm>>
      %dma_wait3A_10 = tpu.memref_slice %arg3[%mul3A_2] : memref<4096xi32, #tpu.memory_space<hbm>> -> memref<128xi32, #tpu.memory_space<hbm>>
      tpu.wait_dma2 semaphore(%run_scoped3A : memref<!tpu.dma_semaphore, #tpu.memory_space<semaphore_mem>>) src(%dma_wait3A_10 : memref<128xi32, #tpu.memory_space<hbm>>) dst(%arg5 : memref<128xi32, #tpu.memory_space<vmem>>)
      tpu.yield
    }) : () -> ()
    %dma_start3A = arith.constant 0 : i32
    %dma_start3A_3 = arith.constant 0 : i32
    %dma_start3A_4 = tpu.memref_slice %arg2[%dma_start3A, %dma_start3A_3] : memref<8192x256xf32, #tpu.memory_space<hbm>> -> memref<8192x256xf32, #tpu.memory_space<hbm>>
    tpu.enqueue_indirect_dma source(%dma_start3A_4 : memref<8192x256xf32, #tpu.memory_space<hbm>>) target(%arg6 : memref<128x256xf32, #tpu.memory_space<vmem>>) offsets(%arg5 : memref<128xi32, #tpu.memory_space<vmem>>) semaphore(%arg7 : memref<!tpu.dma_semaphore, #tpu.memory_space<semaphore_mem>>)
    %dma_wait3A = arith.constant 0 : i32
    %dma_wait3A_5 = arith.constant 0 : i32
    %dma_wait3A_6 = tpu.memref_slice %arg2[%dma_wait3A, %dma_wait3A_5] : memref<8192x256xf32, #tpu.memory_space<hbm>> -> memref<8192x256xf32, #tpu.memory_space<hbm>>
    tpu.wait_indirect_dma semaphore(%arg7 : memref<!tpu.dma_semaphore, #tpu.memory_space<semaphore_mem>>) src(%dma_wait3A_6 : memref<8192x256xf32, #tpu.memory_space<hbm>>) dst(%arg6 : memref<128x256xf32, #tpu.memory_space<vmem>>)
    "tpu.region"() ({
      %run_scoped3A = tpu.sem_alloc : memref<!tpu.dma_semaphore, #tpu.memory_space<semaphore_mem>>
      %dma_start3A_7 = arith.constant 0 : i32
      %dma_start3A_8 = tpu.memref_slice %arg4[%mul3A_2, %dma_start3A_7] : memref<4096x256xf32, #tpu.memory_space<hbm>> -> memref<128x256xf32, #tpu.memory_space<hbm>>
      %dma_start3A_9 = arith.constant 0 : i32
      %dma_start3A_10 = tpu.memref_slice %arg4[%mul3A_2, %dma_start3A_9] : memref<4096x256xf32, #tpu.memory_space<hbm>> -> memref<128x256xf32, #tpu.memory_space<hbm>>
      tpu.enqueue_dma source(%arg6 : memref<128x256xf32, #tpu.memory_space<vmem>>) target(%dma_start3A_10 : memref<128x256xf32, #tpu.memory_space<hbm>>) target_semaphore(%run_scoped3A : memref<!tpu.dma_semaphore, #tpu.memory_space<semaphore_mem>>)
      %dma_wait3A_11 = arith.constant 0 : i32
      %dma_wait3A_12 = tpu.memref_slice %arg4[%mul3A_2, %dma_wait3A_11] : memref<4096x256xf32, #tpu.memory_space<hbm>> -> memref<128x256xf32, #tpu.memory_space<hbm>>
      %dma_wait3A_13 = arith.constant 0 : i32
      %dma_wait3A_14 = tpu.memref_slice %arg4[%mul3A_2, %dma_wait3A_13] : memref<4096x256xf32, #tpu.memory_space<hbm>> -> memref<128x256xf32, #tpu.memory_space<hbm>>
      tpu.wait_dma2 semaphore(%run_scoped3A : memref<!tpu.dma_semaphore, #tpu.memory_space<semaphore_mem>>) src(%arg6 : memref<128x256xf32, #tpu.memory_space<vmem>>) dst(%dma_wait3A_14 : memref<128x256xf32, #tpu.memory_space<hbm>>)
      tpu.yield
    }) : () -> ()
    return
  }
}

module attributes {stable_mosaic.version = 14 : i64} {
  func.func @_scores_body(%arg0: i32, %arg1: memref<256x4x256xf32, #tpu.memory_space<vmem>>, %arg2: memref<8192x256xf32, #tpu.memory_space<vmem>>, %arg3: memref<256x8192xf32, #tpu.memory_space<vmem>>, %arg4: memref<1x1x256xi32, #tpu.memory_space<vmem>>) attributes {dimension_semantics = [#tpu.dimension_semantics<arbitrary>], iteration_bounds = array<i64: 16>, scalar_prefetch = 0 : i64, scratch_operands = 0 : i64, tpu.core_type = #tpu.core_type<tc>, window_params = [{transform_indices = @transform_0, window_bounds = array<i64: 256, 4, 256>}, {pipeline_mode = #tpu.pipeline_mode<synchronous>, transform_indices = @transform_1, window_bounds = array<i64: 8192, 256>}, {transform_indices = @transform_2, window_bounds = array<i64: 256, 8192>}, {transform_indices = @transform_3, window_bounds = array<i64: 1, 1, 256>}]} {
    %get3A = arith.constant 0 : index
    %get3A_0 = arith.constant 0 : index
    %get3A_1 = arith.constant 0 : index
    %get3A_2 = vector.load %arg1[%get3A, %get3A_0, %get3A_1] : memref<256x4x256xf32, #tpu.memory_space<vmem>>, vector<256x4x256xf32>
    %reshape3A = vector.shape_cast %get3A_2 : vector<256x4x256xf32> to vector<256x1024xf32>
    %slice3A = vector.extract_strided_slice %reshape3A {offsets = [0, 0], sizes = [256, 256], strides = [1, 1]} : vector<256x1024xf32> to vector<256x256xf32>
    %reduce_sum3A = arith.constant dense<0.000000e+00> : vector<256xf32>
    %reduce_sum3A_3 = vector.multi_reduction <add>, %slice3A, %reduce_sum3A [1] : vector<256x256xf32> to vector<256xf32>
    %broadcast_in_dim3A = vector.shape_cast %reduce_sum3A_3 : vector<256xf32> to vector<256x1xf32>
    %div3A = arith.constant 2.560000e+02 : f32
    %div3A_4 = vector.broadcast %div3A : f32 to vector<256x1xf32>
    %div3A_5 = arith.divf %broadcast_in_dim3A, %div3A_4 : vector<256x1xf32>
    %reduce_max3A = arith.constant dense<0xFF800000> : vector<256xf32>
    %reduce_max3A_6 = vector.multi_reduction <maximumf>, %slice3A, %reduce_max3A [1] : vector<256x256xf32> to vector<256xf32>
    %broadcast_in_dim3A_7 = vector.shape_cast %reduce_max3A_6 : vector<256xf32> to vector<256x1xf32>
    %add3A = arith.addf %div3A_5, %broadcast_in_dim3A_7 : vector<256x1xf32>
    %add3A_8 = arith.constant 9.99999997E-7 : f32
    %add3A_9 = vector.broadcast %add3A_8 : f32 to vector<256x1xf32>
    %add3A_10 = arith.addf %add3A, %add3A_9 : vector<256x1xf32>
    %mul3A = vector.broadcast %add3A_10 : vector<256x1xf32> to vector<256x256xf32>
    %mul3A_11 = arith.mulf %slice3A, %mul3A : vector<256x256xf32>
    %slice3A_12 = vector.extract_strided_slice %reshape3A {offsets = [0, 256], sizes = [256, 256], strides = [1, 1]} : vector<256x1024xf32> to vector<256x256xf32>
    %reduce_sum3A_13 = arith.constant dense<0.000000e+00> : vector<256xf32>
    %reduce_sum3A_14 = vector.multi_reduction <add>, %slice3A_12, %reduce_sum3A_13 [1] : vector<256x256xf32> to vector<256xf32>
    %broadcast_in_dim3A_15 = vector.shape_cast %reduce_sum3A_14 : vector<256xf32> to vector<256x1xf32>
    %div3A_16 = arith.constant 2.560000e+02 : f32
    %div3A_17 = vector.broadcast %div3A_16 : f32 to vector<256x1xf32>
    %div3A_18 = arith.divf %broadcast_in_dim3A_15, %div3A_17 : vector<256x1xf32>
    %reduce_max3A_19 = arith.constant dense<0xFF800000> : vector<256xf32>
    %reduce_max3A_20 = vector.multi_reduction <maximumf>, %slice3A_12, %reduce_max3A_19 [1] : vector<256x256xf32> to vector<256xf32>
    %broadcast_in_dim3A_21 = vector.shape_cast %reduce_max3A_20 : vector<256xf32> to vector<256x1xf32>
    %add3A_22 = arith.addf %div3A_18, %broadcast_in_dim3A_21 : vector<256x1xf32>
    %add3A_23 = arith.constant 9.99999997E-7 : f32
    %add3A_24 = vector.broadcast %add3A_23 : f32 to vector<256x1xf32>
    %add3A_25 = arith.addf %add3A_22, %add3A_24 : vector<256x1xf32>
    %mul3A_26 = vector.broadcast %add3A_25 : vector<256x1xf32> to vector<256x256xf32>
    %mul3A_27 = arith.mulf %slice3A_12, %mul3A_26 : vector<256x256xf32>
    %add3A_28 = arith.addf %mul3A_11, %mul3A_27 : vector<256x256xf32>
    %slice3A_29 = vector.extract_strided_slice %reshape3A {offsets = [0, 512], sizes = [256, 256], strides = [1, 1]} : vector<256x1024xf32> to vector<256x256xf32>
    %reduce_sum3A_30 = arith.constant dense<0.000000e+00> : vector<256xf32>
    %reduce_sum3A_31 = vector.multi_reduction <add>, %slice3A_29, %reduce_sum3A_30 [1] : vector<256x256xf32> to vector<256xf32>
    %broadcast_in_dim3A_32 = vector.shape_cast %reduce_sum3A_31 : vector<256xf32> to vector<256x1xf32>
    %div3A_33 = arith.constant 2.560000e+02 : f32
    %div3A_34 = vector.broadcast %div3A_33 : f32 to vector<256x1xf32>
    %div3A_35 = arith.divf %broadcast_in_dim3A_32, %div3A_34 : vector<256x1xf32>
    %reduce_max3A_36 = arith.constant dense<0xFF800000> : vector<256xf32>
    %reduce_max3A_37 = vector.multi_reduction <maximumf>, %slice3A_29, %reduce_max3A_36 [1] : vector<256x256xf32> to vector<256xf32>
    %broadcast_in_dim3A_38 = vector.shape_cast %reduce_max3A_37 : vector<256xf32> to vector<256x1xf32>
    %add3A_39 = arith.addf %div3A_35, %broadcast_in_dim3A_38 : vector<256x1xf32>
    %add3A_40 = arith.constant 9.99999997E-7 : f32
    %add3A_41 = vector.broadcast %add3A_40 : f32 to vector<256x1xf32>
    %add3A_42 = arith.addf %add3A_39, %add3A_41 : vector<256x1xf32>
    %mul3A_43 = vector.broadcast %add3A_42 : vector<256x1xf32> to vector<256x256xf32>
    %mul3A_44 = arith.mulf %slice3A_29, %mul3A_43 : vector<256x256xf32>
    %add3A_45 = arith.addf %add3A_28, %mul3A_44 : vector<256x256xf32>
    %slice3A_46 = vector.extract_strided_slice %reshape3A {offsets = [0, 768], sizes = [256, 256], strides = [1, 1]} : vector<256x1024xf32> to vector<256x256xf32>
    %reduce_sum3A_47 = arith.constant dense<0.000000e+00> : vector<256xf32>
    %reduce_sum3A_48 = vector.multi_reduction <add>, %slice3A_46, %reduce_sum3A_47 [1] : vector<256x256xf32> to vector<256xf32>
    %broadcast_in_dim3A_49 = vector.shape_cast %reduce_sum3A_48 : vector<256xf32> to vector<256x1xf32>
    %div3A_50 = arith.constant 2.560000e+02 : f32
    %div3A_51 = vector.broadcast %div3A_50 : f32 to vector<256x1xf32>
    %div3A_52 = arith.divf %broadcast_in_dim3A_49, %div3A_51 : vector<256x1xf32>
    %reduce_max3A_53 = arith.constant dense<0xFF800000> : vector<256xf32>
    %reduce_max3A_54 = vector.multi_reduction <maximumf>, %slice3A_46, %reduce_max3A_53 [1] : vector<256x256xf32> to vector<256xf32>
    %broadcast_in_dim3A_55 = vector.shape_cast %reduce_max3A_54 : vector<256xf32> to vector<256x1xf32>
    %add3A_56 = arith.addf %div3A_52, %broadcast_in_dim3A_55 : vector<256x1xf32>
    %add3A_57 = arith.constant 9.99999997E-7 : f32
    %add3A_58 = vector.broadcast %add3A_57 : f32 to vector<256x1xf32>
    %add3A_59 = arith.addf %add3A_56, %add3A_58 : vector<256x1xf32>
    %mul3A_60 = vector.broadcast %add3A_59 : vector<256x1xf32> to vector<256x256xf32>
    %mul3A_61 = arith.mulf %slice3A_46, %mul3A_60 : vector<256x256xf32>
    %add3A_62 = arith.addf %add3A_45, %mul3A_61 : vector<256x256xf32>
    %get3A_63 = arith.constant 0 : index
    %get3A_64 = arith.constant 0 : index
    %get3A_65 = vector.load %arg2[%get3A_63, %get3A_64] : memref<8192x256xf32, #tpu.memory_space<vmem>>, vector<8192x256xf32>
    %dot_general3A = arith.constant dense<0.000000e+00> : vector<256x8192xf32>
    %dot_general3A_66 = tpu.matmul %add3A_62, %get3A_65, %dot_general3A {dimension_numbers = #tpu.dot_dimension_numbers<[1], [1], [0], [0], [0, 0, 1, 0], [], []>, transpose_lhs_hint = false} : vector<256x256xf32>, vector<8192x256xf32>, vector<256x8192xf32> -> vector<256x8192xf32>
    %swap3A = arith.constant 0 : index
    %swap3A_67 = arith.constant 0 : index
    %swap3A_68 = vector.load %arg3[%swap3A, %swap3A_67] : memref<256x8192xf32, #tpu.memory_space<vmem>>, vector<256x8192xf32>
    tpu.vector_store %arg3[%swap3A, %swap3A_67], %dot_general3A_66 {strides = array<i32>} : memref<256x8192xf32, #tpu.memory_space<vmem>>, vector<256x8192xf32>,
    %argmax3A = tpu.reduce_index %dot_general3A_66 {axis = 1 : i32, kind = #tpu.reduction_kind<arg_max>} : vector<256x8192xf32> -> vector<256xi32>
    %swap3A_69 = arith.constant 0 : index
    %swap3A_70 = arith.constant 0 : index
    %swap3A_71 = arith.constant 0 : index
    %swap3A_72 = vector.load %arg4[%swap3A_69, %swap3A_70, %swap3A_71] : memref<1x1x256xi32, #tpu.memory_space<vmem>>, vector<1x1x256xi32>
    %swap3A_73 = vector.shape_cast %swap3A_72 : vector<1x1x256xi32> to vector<256xi32>
    %swap3A_74 = vector.shape_cast %argmax3A : vector<256xi32> to vector<1x1x256xi32>
    tpu.vector_store %arg4[%swap3A_69, %swap3A_70, %swap3A_71], %swap3A_74 {strides = array<i32>} : memref<1x1x256xi32, #tpu.memory_space<vmem>>, vector<1x1x256xi32>,
    return
  }
  func.func @transform_0(%arg0: i32) -> (i32, i32, i32) {
    %c0_i32 = arith.constant 0 : i32
    %c0_i32_0 = arith.constant 0 : i32
    %c0_i32_1 = arith.constant 0 : i32
    return %arg0, %c0_i32, %c0_i32_0 : i32, i32, i32
  }
  func.func @transform_1(%arg0: i32) -> (i32, i32) {
    %c0_i32 = arith.constant 0 : i32
    %c0_i32_0 = arith.constant 0 : i32
    %c0_i32_1 = arith.constant 0 : i32
    return %c0_i32, %c0_i32_0 : i32, i32
  }
  func.func @transform_2(%arg0: i32) -> (i32, i32) {
    %c0_i32 = arith.constant 0 : i32
    %c0_i32_0 = arith.constant 0 : i32
    return %arg0, %c0_i32 : i32, i32
  }
  func.func @transform_3(%arg0: i32) -> (i32, i32, i32) {
    %c0_i32 = arith.constant 0 : i32
    %c0_i32_0 = arith.constant 0 : i32
    %c0_i32_1 = arith.constant 0 : i32
    return %arg0, %c0_i32, %c0_i32_0 : i32, i32, i32
  }
}

module attributes {stable_mosaic.version = 14 : i64} {
  func.func @_bn_body(%arg0: i32, %arg1: memref<256x4x256xf32, #tpu.memory_space<vmem>>, %arg2: memref<256x256xf32, #tpu.memory_space<vmem>>, %arg3: memref<4x1xf32, #tpu.memory_space<vmem>>, %arg4: memref<4x1xf32, #tpu.memory_space<vmem>>, %arg5: memref<256x4x256xf32, #tpu.memory_space<vmem>>, %arg6: memref<4096x1024xf32, #tpu.memory_space<vmem>>, %arg7: memref<8x256xf32, #tpu.memory_space<vmem>>) attributes {dimension_semantics = [#tpu.dimension_semantics<arbitrary>], iteration_bounds = array<i64: 32>, scalar_prefetch = 0 : i64, scratch_operands = 2 : i64, tpu.core_type = #tpu.core_type<tc>, window_params = [{transform_indices = @transform_0, window_bounds = array<i64: 256, 4, 256>}, {transform_indices = @transform_1, window_bounds = array<i64: 256, 256>}, {pipeline_mode = #tpu.pipeline_mode<synchronous>, transform_indices = @transform_2, window_bounds = array<i64: 4, 1>}, {pipeline_mode = #tpu.pipeline_mode<synchronous>, transform_indices = @transform_3, window_bounds = array<i64: 4, 1>}, {transform_indices = @transform_4, window_bounds = array<i64: 256, 4, 256>}]} {
    %eq3A = arith.constant 0 : i32
    %eq3A_0 = arith.cmpi eq, %arg0, %eq3A : i32
    %convert_element_type3A = arith.extui %eq3A_0 : i1 to i32
    %cond3A = arith.constant 0 : i32
    %cond3A_1 = arith.cmpi ne, %convert_element_type3A, %cond3A : i32
    scf.if %cond3A_1 {
      %broadcast_in_dim3A = arith.constant 0.000000e+00 : f32
      %broadcast_in_dim3A_10 = vector.broadcast %broadcast_in_dim3A : f32 to vector<8x256xf32>
      %swap3A = arith.constant 0 : index
      %swap3A_11 = arith.constant 0 : index
      %swap3A_12 = vector.load %arg7[%swap3A, %swap3A_11] : memref<8x256xf32, #tpu.memory_space<vmem>>, vector<8x256xf32>
      tpu.vector_store %arg7[%swap3A, %swap3A_11], %broadcast_in_dim3A_10 {strides = array<i32>} : memref<8x256xf32, #tpu.memory_space<vmem>>, vector<8x256xf32>,
    } else {
    }
    %lt3A = arith.constant 16 : i32
    %lt3A_2 = arith.cmpi slt, %arg0, %lt3A : i32
    %convert_element_type3A_3 = arith.extui %lt3A_2 : i1 to i32
    %cond3A_4 = arith.constant 0 : i32
    %cond3A_5 = arith.cmpi ne, %convert_element_type3A_3, %cond3A_4 : i32
    scf.if %cond3A_5 {
      %get3A = arith.constant 0 : index
      %get3A_10 = arith.constant 0 : index
      %get3A_11 = vector.load %arg2[%get3A, %get3A_10] : memref<256x256xf32, #tpu.memory_space<vmem>>, vector<256x256xf32>
      %mul3A = arith.constant 4.000000e-01 : f32
      %mul3A_12 = vector.broadcast %mul3A : f32 to vector<256x256xf32>
      %mul3A_13 = arith.mulf %mul3A_12, %get3A_11 : vector<256x256xf32>
      %add3A = arith.constant 6.000000e-01 : f32
      %add3A_14 = vector.broadcast %add3A : f32 to vector<256x256xf32>
      %add3A_15 = arith.addf %add3A_14, %mul3A_13 : vector<256x256xf32>
      %get3A_16 = arith.constant 0 : index
      %get3A_17 = arith.constant 0 : index
      %get3A_18 = arith.constant 0 : index
      %get3A_19 = vector.load %arg1[%get3A_16, %get3A_17, %get3A_18] : memref<256x4x256xf32, #tpu.memory_space<vmem>>, vector<256x4x256xf32>
      %reshape3A = vector.shape_cast %get3A_19 : vector<256x4x256xf32> to vector<256x1024xf32>
      %mul3A_20 = arith.constant 256 : i32
      %mul3A_21 = arith.muli %arg0, %mul3A_20 : i32
      %broadcast_in_dim3A = arith.constant 1.000000e+00 : f32
      %broadcast_in_dim3A_22 = vector.broadcast %broadcast_in_dim3A : f32 to vector<1x256xf32>
      %slice3A = vector.extract_strided_slice %reshape3A {offsets = [0, 0], sizes = [256, 256], strides = [1, 1]} : vector<256x1024xf32> to vector<256x256xf32>
      %mul3A_23 = arith.mulf %slice3A, %add3A_15 : vector<256x256xf32>
      %swap3A = arith.index_cast %mul3A_21 : i32 to index
      %swap3A_24 = arith.constant 0 : index
      %swap3A_25 = vector.load %arg6[%swap3A, %swap3A_24] : memref<4096x1024xf32, #tpu.memory_space<vmem>>, vector<256x256xf32>
      tpu.vector_store %arg6[%swap3A, %swap3A_24], %mul3A_23 {strides = array<i32>} : memref<4096x1024xf32, #tpu.memory_space<vmem>>, vector<256x256xf32>,
      %get3A_26 = arith.constant 0 : index
      %get3A_27 = arith.constant 0 : index
      %get3A_28 = vector.load %arg7[%get3A_26, %get3A_27] : memref<8x256xf32, #tpu.memory_space<vmem>>, vector<1x256xf32>
      %dot_general3A = arith.constant dense<0.000000e+00> : vector<1x256xf32>
      %dot_general3A_29 = tpu.matmul %broadcast_in_dim3A_22, %mul3A_23, %dot_general3A {dimension_numbers = #tpu.dot_dimension_numbers<[1], [0], [0], [1], [0, 0, 1, 1], [], []>, precision = #tpu.contract_precision<fp32>, transpose_lhs_hint = false} : vector<1x256xf32>, vector<256x256xf32>, vector<1x256xf32> -> vector<1x256xf32>
      %add3A_30 = arith.addf %get3A_28, %dot_general3A_29 : vector<1x256xf32>
      %swap3A_31 = arith.constant 0 : index
      %swap3A_32 = arith.constant 0 : index
      %swap3A_33 = vector.load %arg7[%swap3A_31, %swap3A_32] : memref<8x256xf32, #tpu.memory_space<vmem>>, vector<1x256xf32>
      tpu.vector_store %arg7[%swap3A_31, %swap3A_32], %add3A_30 {strides = array<i32>} : memref<8x256xf32, #tpu.memory_space<vmem>>, vector<1x256xf32>,
      %get3A_34 = arith.constant 4 : index
      %get3A_35 = arith.constant 0 : index
      %get3A_36 = vector.load %arg7[%get3A_34, %get3A_35] : memref<8x256xf32, #tpu.memory_space<vmem>>, vector<1x256xf32>
      %mul3A_37 = arith.mulf %mul3A_23, %mul3A_23 : vector<256x256xf32>
      %dot_general3A_38 = arith.constant dense<0.000000e+00> : vector<1x256xf32>
      %dot_general3A_39 = tpu.matmul %broadcast_in_dim3A_22, %mul3A_37, %dot_general3A_38 {dimension_numbers = #tpu.dot_dimension_numbers<[1], [0], [0], [1], [0, 0, 1, 1], [], []>, precision = #tpu.contract_precision<fp32>, transpose_lhs_hint = false} : vector<1x256xf32>, vector<256x256xf32>, vector<1x256xf32> -> vector<1x256xf32>
      %add3A_40 = arith.addf %get3A_36, %dot_general3A_39 : vector<1x256xf32>
      %swap3A_41 = arith.constant 4 : index
      %swap3A_42 = arith.constant 0 : index
      %swap3A_43 = vector.load %arg7[%swap3A_41, %swap3A_42] : memref<8x256xf32, #tpu.memory_space<vmem>>, vector<1x256xf32>
      tpu.vector_store %arg7[%swap3A_41, %swap3A_42], %add3A_40 {strides = array<i32>} : memref<8x256xf32, #tpu.memory_space<vmem>>, vector<1x256xf32>,
      %slice3A_44 = vector.extract_strided_slice %reshape3A {offsets = [0, 256], sizes = [256, 256], strides = [1, 1]} : vector<256x1024xf32> to vector<256x256xf32>
      %mul3A_45 = arith.mulf %slice3A_44, %add3A_15 : vector<256x256xf32>
      %swap3A_46 = arith.index_cast %mul3A_21 : i32 to index
      %swap3A_47 = arith.constant 256 : index
      %swap3A_48 = vector.load %arg6[%swap3A_46, %swap3A_47] : memref<4096x1024xf32, #tpu.memory_space<vmem>>, vector<256x256xf32>
      tpu.vector_store %arg6[%swap3A_46, %swap3A_47], %mul3A_45 {strides = array<i32>} : memref<4096x1024xf32, #tpu.memory_space<vmem>>, vector<256x256xf32>,
      %get3A_49 = arith.constant 1 : index
      %get3A_50 = arith.constant 0 : index
      %get3A_51 = vector.load %arg7[%get3A_49, %get3A_50] : memref<8x256xf32, #tpu.memory_space<vmem>>, vector<1x256xf32>
      %dot_general3A_52 = arith.constant dense<0.000000e+00> : vector<1x256xf32>
      %dot_general3A_53 = tpu.matmul %broadcast_in_dim3A_22, %mul3A_45, %dot_general3A_52 {dimension_numbers = #tpu.dot_dimension_numbers<[1], [0], [0], [1], [0, 0, 1, 1], [], []>, precision = #tpu.contract_precision<fp32>, transpose_lhs_hint = false} : vector<1x256xf32>, vector<256x256xf32>, vector<1x256xf32> -> vector<1x256xf32>
      %add3A_54 = arith.addf %get3A_51, %dot_general3A_53 : vector<1x256xf32>
      %swap3A_55 = arith.constant 1 : index
      %swap3A_56 = arith.constant 0 : index
      %swap3A_57 = vector.load %arg7[%swap3A_55, %swap3A_56] : memref<8x256xf32, #tpu.memory_space<vmem>>, vector<1x256xf32>
      tpu.vector_store %arg7[%swap3A_55, %swap3A_56], %add3A_54 {strides = array<i32>} : memref<8x256xf32, #tpu.memory_space<vmem>>, vector<1x256xf32>,
      %get3A_58 = arith.constant 5 : index
      %get3A_59 = arith.constant 0 : index
      %get3A_60 = vector.load %arg7[%get3A_58, %get3A_59] : memref<8x256xf32, #tpu.memory_space<vmem>>, vector<1x256xf32>
      %mul3A_61 = arith.mulf %mul3A_45, %mul3A_45 : vector<256x256xf32>
      %dot_general3A_62 = arith.constant dense<0.000000e+00> : vector<1x256xf32>
      %dot_general3A_63 = tpu.matmul %broadcast_in_dim3A_22, %mul3A_61, %dot_general3A_62 {dimension_numbers = #tpu.dot_dimension_numbers<[1], [0], [0], [1], [0, 0, 1, 1], [], []>, precision = #tpu.contract_precision<fp32>, transpose_lhs_hint = false} : vector<1x256xf32>, vector<256x256xf32>, vector<1x256xf32> -> vector<1x256xf32>
      %add3A_64 = arith.addf %get3A_60, %dot_general3A_63 : vector<1x256xf32>
      %swap3A_65 = arith.constant 5 : index
      %swap3A_66 = arith.constant 0 : index
      %swap3A_67 = vector.load %arg7[%swap3A_65, %swap3A_66] : memref<8x256xf32, #tpu.memory_space<vmem>>, vector<1x256xf32>
      tpu.vector_store %arg7[%swap3A_65, %swap3A_66], %add3A_64 {strides = array<i32>} : memref<8x256xf32, #tpu.memory_space<vmem>>, vector<1x256xf32>,
      %slice3A_68 = vector.extract_strided_slice %reshape3A {offsets = [0, 512], sizes = [256, 256], strides = [1, 1]} : vector<256x1024xf32> to vector<256x256xf32>
      %mul3A_69 = arith.mulf %slice3A_68, %add3A_15 : vector<256x256xf32>
      %swap3A_70 = arith.index_cast %mul3A_21 : i32 to index
      %swap3A_71 = arith.constant 512 : index
      %swap3A_72 = vector.load %arg6[%swap3A_70, %swap3A_71] : memref<4096x1024xf32, #tpu.memory_space<vmem>>, vector<256x256xf32>
      tpu.vector_store %arg6[%swap3A_70, %swap3A_71], %mul3A_69 {strides = array<i32>} : memref<4096x1024xf32, #tpu.memory_space<vmem>>, vector<256x256xf32>,
      %get3A_73 = arith.constant 2 : index
      %get3A_74 = arith.constant 0 : index
      %get3A_75 = vector.load %arg7[%get3A_73, %get3A_74] : memref<8x256xf32, #tpu.memory_space<vmem>>, vector<1x256xf32>
      %dot_general3A_76 = arith.constant dense<0.000000e+00> : vector<1x256xf32>
      %dot_general3A_77 = tpu.matmul %broadcast_in_dim3A_22, %mul3A_69, %dot_general3A_76 {dimension_numbers = #tpu.dot_dimension_numbers<[1], [0], [0], [1], [0, 0, 1, 1], [], []>, precision = #tpu.contract_precision<fp32>, transpose_lhs_hint = false} : vector<1x256xf32>, vector<256x256xf32>, vector<1x256xf32> -> vector<1x256xf32>
      %add3A_78 = arith.addf %get3A_75, %dot_general3A_77 : vector<1x256xf32>
      %swap3A_79 = arith.constant 2 : index
      %swap3A_80 = arith.constant 0 : index
      %swap3A_81 = vector.load %arg7[%swap3A_79, %swap3A_80] : memref<8x256xf32, #tpu.memory_space<vmem>>, vector<1x256xf32>
      tpu.vector_store %arg7[%swap3A_79, %swap3A_80], %add3A_78 {strides = array<i32>} : memref<8x256xf32, #tpu.memory_space<vmem>>, vector<1x256xf32>,
      %get3A_82 = arith.constant 6 : index
      %get3A_83 = arith.constant 0 : index
      %get3A_84 = vector.load %arg7[%get3A_82, %get3A_83] : memref<8x256xf32, #tpu.memory_space<vmem>>, vector<1x256xf32>
      %mul3A_85 = arith.mulf %mul3A_69, %mul3A_69 : vector<256x256xf32>
      %dot_general3A_86 = arith.constant dense<0.000000e+00> : vector<1x256xf32>
      %dot_general3A_87 = tpu.matmul %broadcast_in_dim3A_22, %mul3A_85, %dot_general3A_86 {dimension_numbers = #tpu.dot_dimension_numbers<[1], [0], [0], [1], [0, 0, 1, 1], [], []>, precision = #tpu.contract_precision<fp32>, transpose_lhs_hint = false} : vector<1x256xf32>, vector<256x256xf32>, vector<1x256xf32> -> vector<1x256xf32>
      %add3A_88 = arith.addf %get3A_84, %dot_general3A_87 : vector<1x256xf32>
      %swap3A_89 = arith.constant 6 : index
      %swap3A_90 = arith.constant 0 : index
      %swap3A_91 = vector.load %arg7[%swap3A_89, %swap3A_90] : memref<8x256xf32, #tpu.memory_space<vmem>>, vector<1x256xf32>
      tpu.vector_store %arg7[%swap3A_89, %swap3A_90], %add3A_88 {strides = array<i32>} : memref<8x256xf32, #tpu.memory_space<vmem>>, vector<1x256xf32>,
      %slice3A_92 = vector.extract_strided_slice %reshape3A {offsets = [0, 768], sizes = [256, 256], strides = [1, 1]} : vector<256x1024xf32> to vector<256x256xf32>
      %mul3A_93 = arith.mulf %slice3A_92, %add3A_15 : vector<256x256xf32>
      %swap3A_94 = arith.index_cast %mul3A_21 : i32 to index
      %swap3A_95 = arith.constant 768 : index
      %swap3A_96 = vector.load %arg6[%swap3A_94, %swap3A_95] : memref<4096x1024xf32, #tpu.memory_space<vmem>>, vector<256x256xf32>
      tpu.vector_store %arg6[%swap3A_94, %swap3A_95], %mul3A_93 {strides = array<i32>} : memref<4096x1024xf32, #tpu.memory_space<vmem>>, vector<256x256xf32>,
      %get3A_97 = arith.constant 3 : index
      %get3A_98 = arith.constant 0 : index
      %get3A_99 = vector.load %arg7[%get3A_97, %get3A_98] : memref<8x256xf32, #tpu.memory_space<vmem>>, vector<1x256xf32>
      %dot_general3A_100 = arith.constant dense<0.000000e+00> : vector<1x256xf32>
      %dot_general3A_101 = tpu.matmul %broadcast_in_dim3A_22, %mul3A_93, %dot_general3A_100 {dimension_numbers = #tpu.dot_dimension_numbers<[1], [0], [0], [1], [0, 0, 1, 1], [], []>, precision = #tpu.contract_precision<fp32>, transpose_lhs_hint = false} : vector<1x256xf32>, vector<256x256xf32>, vector<1x256xf32> -> vector<1x256xf32>
      %add3A_102 = arith.addf %get3A_99, %dot_general3A_101 : vector<1x256xf32>
      %swap3A_103 = arith.constant 3 : index
      %swap3A_104 = arith.constant 0 : index
      %swap3A_105 = vector.load %arg7[%swap3A_103, %swap3A_104] : memref<8x256xf32, #tpu.memory_space<vmem>>, vector<1x256xf32>
      tpu.vector_store %arg7[%swap3A_103, %swap3A_104], %add3A_102 {strides = array<i32>} : memref<8x256xf32, #tpu.memory_space<vmem>>, vector<1x256xf32>,
      %get3A_106 = arith.constant 7 : index
      %get3A_107 = arith.constant 0 : index
      %get3A_108 = vector.load %arg7[%get3A_106, %get3A_107] : memref<8x256xf32, #tpu.memory_space<vmem>>, vector<1x256xf32>
      %mul3A_109 = arith.mulf %mul3A_93, %mul3A_93 : vector<256x256xf32>
      %dot_general3A_110 = arith.constant dense<0.000000e+00> : vector<1x256xf32>
      %dot_general3A_111 = tpu.matmul %broadcast_in_dim3A_22, %mul3A_109, %dot_general3A_110 {dimension_numbers = #tpu.dot_dimension_numbers<[1], [0], [0], [1], [0, 0, 1, 1], [], []>, precision = #tpu.contract_precision<fp32>, transpose_lhs_hint = false} : vector<1x256xf32>, vector<256x256xf32>, vector<1x256xf32> -> vector<1x256xf32>
      %add3A_112 = arith.addf %get3A_108, %dot_general3A_111 : vector<1x256xf32>
      %swap3A_113 = arith.constant 7 : index
      %swap3A_114 = arith.constant 0 : index
      %swap3A_115 = vector.load %arg7[%swap3A_113, %swap3A_114] : memref<8x256xf32, #tpu.memory_space<vmem>>, vector<1x256xf32>
      tpu.vector_store %arg7[%swap3A_113, %swap3A_114], %add3A_112 {strides = array<i32>} : memref<8x256xf32, #tpu.memory_space<vmem>>, vector<1x256xf32>,
    } else {
    }
    %ge3A = arith.constant 16 : i32
    %ge3A_6 = arith.cmpi sge, %arg0, %ge3A : i32
    %convert_element_type3A_7 = arith.extui %ge3A_6 : i1 to i32
    %cond3A_8 = arith.constant 0 : i32
    %cond3A_9 = arith.cmpi ne, %convert_element_type3A_7, %cond3A_8 : i32
    scf.if %cond3A_9 {
      %get3A = arith.constant 0 : index
      %get3A_10 = arith.constant 0 : index
      %get3A_11 = vector.load %arg7[%get3A, %get3A_10] : memref<8x256xf32, #tpu.memory_space<vmem>>, vector<4x256xf32>
      %reduce_sum3A = arith.constant dense<0.000000e+00> : vector<4xf32>
      %reduce_sum3A_12 = vector.multi_reduction <add>, %get3A_11, %reduce_sum3A [1] : vector<4x256xf32> to vector<4xf32>
      %broadcast_in_dim3A = vector.shape_cast %reduce_sum3A_12 : vector<4xf32> to vector<4x1xf32>
      %div3A = arith.constant 0x49800000 : f32
      %div3A_13 = vector.broadcast %div3A : f32 to vector<4x1xf32>
      %div3A_14 = arith.divf %broadcast_in_dim3A, %div3A_13 : vector<4x1xf32>
      %get3A_15 = arith.constant 4 : index
      %get3A_16 = arith.constant 0 : index
      %get3A_17 = vector.load %arg7[%get3A_15, %get3A_16] : memref<8x256xf32, #tpu.memory_space<vmem>>, vector<4x256xf32>
      %reduce_sum3A_18 = arith.constant dense<0.000000e+00> : vector<4xf32>
      %reduce_sum3A_19 = vector.multi_reduction <add>, %get3A_17, %reduce_sum3A_18 [1] : vector<4x256xf32> to vector<4xf32>
      %broadcast_in_dim3A_20 = vector.shape_cast %reduce_sum3A_19 : vector<4xf32> to vector<4x1xf32>
      %div3A_21 = arith.constant 0x49800000 : f32
      %div3A_22 = vector.broadcast %div3A_21 : f32 to vector<4x1xf32>
      %div3A_23 = arith.divf %broadcast_in_dim3A_20, %div3A_22 : vector<4x1xf32>
      %mul3A = arith.mulf %div3A_14, %div3A_14 : vector<4x1xf32>
      %sub3A = arith.subf %div3A_23, %mul3A : vector<4x1xf32>
      %get3A_24 = arith.constant 0 : index
      %get3A_25 = arith.constant 0 : index
      %get3A_26 = vector.load %arg3[%get3A_24, %get3A_25] : memref<4x1xf32, #tpu.memory_space<vmem>>, vector<4x1xf32>
      %add3A = arith.constant 9.99999974E-6 : f32
      %add3A_27 = vector.broadcast %add3A : f32 to vector<4x1xf32>
      %add3A_28 = arith.addf %sub3A, %add3A_27 : vector<4x1xf32>
      %rsqrt3A = math.rsqrt %add3A_28 : vector<4x1xf32>
      %mul3A_29 = arith.mulf %get3A_26, %rsqrt3A : vector<4x1xf32>
      %get3A_30 = arith.constant 0 : index
      %get3A_31 = arith.constant 0 : index
      %get3A_32 = vector.load %arg4[%get3A_30, %get3A_31] : memref<4x1xf32, #tpu.memory_space<vmem>>, vector<4x1xf32>
      %mul3A_33 = arith.mulf %div3A_14, %mul3A_29 : vector<4x1xf32>
      %sub3A_34 = arith.subf %get3A_32, %mul3A_33 : vector<4x1xf32>
      %sub3A_35 = arith.constant 16 : i32
      %sub3A_36 = arith.subi %arg0, %sub3A_35 : i32
      %mul3A_37 = arith.constant 256 : i32
      %mul3A_38 = arith.muli %sub3A_36, %mul3A_37 : i32
      %get3A_39 = arith.index_cast %mul3A_38 : i32 to index
      %get3A_40 = arith.constant 0 : index
      %get3A_41 = vector.load %arg6[%get3A_39, %get3A_40] : memref<4096x1024xf32, #tpu.memory_space<vmem>>, vector<256x256xf32>
      %slice3A = vector.extract_strided_slice %mul3A_29 {offsets = [0, 0], sizes = [1, 1], strides = [1, 1]} : vector<4x1xf32> to vector<1x1xf32>
      %mul3A_42 = vector.broadcast %slice3A : vector<1x1xf32> to vector<256x256xf32>
      %mul3A_43 = arith.mulf %get3A_41, %mul3A_42 : vector<256x256xf32>
      %slice3A_44 = vector.extract_strided_slice %sub3A_34 {offsets = [0, 0], sizes = [1, 1], strides = [1, 1]} : vector<4x1xf32> to vector<1x1xf32>
      %add3A_45 = vector.broadcast %slice3A_44 : vector<1x1xf32> to vector<256x256xf32>
      %add3A_46 = arith.addf %mul3A_43, %add3A_45 : vector<256x256xf32>
      %get3A_47 = arith.index_cast %mul3A_38 : i32 to index
      %get3A_48 = arith.constant 256 : index
      %get3A_49 = vector.load %arg6[%get3A_47, %get3A_48] : memref<4096x1024xf32, #tpu.memory_space<vmem>>, vector<256x256xf32>
      %slice3A_50 = vector.extract_strided_slice %mul3A_29 {offsets = [1, 0], sizes = [1, 1], strides = [1, 1]} : vector<4x1xf32> to vector<1x1xf32>
      %mul3A_51 = vector.broadcast %slice3A_50 : vector<1x1xf32> to vector<256x256xf32>
      %mul3A_52 = arith.mulf %get3A_49, %mul3A_51 : vector<256x256xf32>
      %slice3A_53 = vector.extract_strided_slice %sub3A_34 {offsets = [1, 0], sizes = [1, 1], strides = [1, 1]} : vector<4x1xf32> to vector<1x1xf32>
      %add3A_54 = vector.broadcast %slice3A_53 : vector<1x1xf32> to vector<256x256xf32>
      %add3A_55 = arith.addf %mul3A_52, %add3A_54 : vector<256x256xf32>
      %get3A_56 = arith.index_cast %mul3A_38 : i32 to index
      %get3A_57 = arith.constant 512 : index
      %get3A_58 = vector.load %arg6[%get3A_56, %get3A_57] : memref<4096x1024xf32, #tpu.memory_space<vmem>>, vector<256x256xf32>
      %slice3A_59 = vector.extract_strided_slice %mul3A_29 {offsets = [2, 0], sizes = [1, 1], strides = [1, 1]} : vector<4x1xf32> to vector<1x1xf32>
      %mul3A_60 = vector.broadcast %slice3A_59 : vector<1x1xf32> to vector<256x256xf32>
      %mul3A_61 = arith.mulf %get3A_58, %mul3A_60 : vector<256x256xf32>
      %slice3A_62 = vector.extract_strided_slice %sub3A_34 {offsets = [2, 0], sizes = [1, 1], strides = [1, 1]} : vector<4x1xf32> to vector<1x1xf32>
      %add3A_63 = vector.broadcast %slice3A_62 : vector<1x1xf32> to vector<256x256xf32>
      %add3A_64 = arith.addf %mul3A_61, %add3A_63 : vector<256x256xf32>
      %get3A_65 = arith.index_cast %mul3A_38 : i32 to index
      %get3A_66 = arith.constant 768 : index
      %get3A_67 = vector.load %arg6[%get3A_65, %get3A_66] : memref<4096x1024xf32, #tpu.memory_space<vmem>>, vector<256x256xf32>
      %slice3A_68 = vector.extract_strided_slice %mul3A_29 {offsets = [3, 0], sizes = [1, 1], strides = [1, 1]} : vector<4x1xf32> to vector<1x1xf32>
      %mul3A_69 = vector.broadcast %slice3A_68 : vector<1x1xf32> to vector<256x256xf32>
      %mul3A_70 = arith.mulf %get3A_67, %mul3A_69 : vector<256x256xf32>
      %slice3A_71 = vector.extract_strided_slice %sub3A_34 {offsets = [3, 0], sizes = [1, 1], strides = [1, 1]} : vector<4x1xf32> to vector<1x1xf32>
      %add3A_72 = vector.broadcast %slice3A_71 : vector<1x1xf32> to vector<256x256xf32>
      %add3A_73 = arith.addf %mul3A_70, %add3A_72 : vector<256x256xf32>
      %concatenate3A = tpu.concatenate %add3A_46, %add3A_55, %add3A_64, %add3A_73 in 1 : vector<256x256xf32>, vector<256x256xf32>, vector<256x256xf32>, vector<256x256xf32> -> vector<256x1024xf32>
      %reshape3A = vector.shape_cast %concatenate3A : vector<256x1024xf32> to vector<256x4x256xf32>
      %swap3A = arith.constant 0 : index
      %swap3A_74 = arith.constant 0 : index
      %swap3A_75 = arith.constant 0 : index
      %swap3A_76 = vector.load %arg5[%swap3A, %swap3A_74, %swap3A_75] : memref<256x4x256xf32, #tpu.memory_space<vmem>>, vector<256x4x256xf32>
      tpu.vector_store %arg5[%swap3A, %swap3A_74, %swap3A_75], %reshape3A {strides = array<i32>} : memref<256x4x256xf32, #tpu.memory_space<vmem>>, vector<256x4x256xf32>,
    } else {
    }
    return
  }
  func.func @transform_0(%arg0: i32) -> (i32, i32, i32) {
    %min3A = arith.constant 15 : i32
    %min3A_0 = arith.minsi %arg0, %min3A : i32
    %c0_i32 = arith.constant 0 : i32
    %c0_i32_1 = arith.constant 0 : i32
    %c0_i32_2 = arith.constant 0 : i32
    return %min3A_0, %c0_i32, %c0_i32_1 : i32, i32, i32
  }
  func.func @transform_1(%arg0: i32) -> (i32, i32) {
    %min3A = arith.constant 15 : i32
    %min3A_0 = arith.minsi %arg0, %min3A : i32
    %c0_i32 = arith.constant 0 : i32
    %c0_i32_1 = arith.constant 0 : i32
    return %min3A_0, %c0_i32 : i32, i32
  }
  func.func @transform_2(%arg0: i32) -> (i32, i32) {
    %c0_i32 = arith.constant 0 : i32
    %c0_i32_0 = arith.constant 0 : i32
    %c0_i32_1 = arith.constant 0 : i32
    return %c0_i32, %c0_i32_0 : i32, i32
  }
  func.func @transform_3(%arg0: i32) -> (i32, i32) {
    %c0_i32 = arith.constant 0 : i32
    %c0_i32_0 = arith.constant 0 : i32
    %c0_i32_1 = arith.constant 0 : i32
    return %c0_i32, %c0_i32_0 : i32, i32
  }
  func.func @transform_4(%arg0: i32) -> (i32, i32, i32) {
    %sub3A = arith.constant 16 : i32
    %sub3A_0 = arith.subi %arg0, %sub3A : i32
    %max3A = arith.constant 0 : i32
    %max3A_1 = arith.maxsi %sub3A_0, %max3A : i32
    %c0_i32 = arith.constant 0 : i32
    %c0_i32_2 = arith.constant 0 : i32
    %c0_i32_3 = arith.constant 0 : i32
    return %max3A_1, %c0_i32, %c0_i32_2 : i32, i32, i32
  }
}

</mosaic_0001>

<sc_bundles>
// kernel: kernel.5.cloned.1.call-start
scs
__scs_entry_jumppad:
0x0: {  	(pc) =	sbr.rel $0x88, $3  }
0x1: {  	(tag) =	ssettag $0x0;
	lr =	simm.s32 $0x1  }
0x2: {  	[smem:$0x3F9D] =	sst lr;
	_ =	strace $0xD0000000  }
0x3: {  	_ = 	snop  }
0x4: {  	_ = 	snop  }
0x5: {  	_ = 	snop  }
0x6: {  	_ = 	snop  }
0x7: {  	_ = 	snop  }
__scs_overlays_trampoline_lowered:
0x8: {  	[smem:$0x3FAC] =	sst s0  }
0x9: {  	[smem:$0x3FAD] =	sst s1  }
0xa: {  	[smem:$0x3FAE] =	sst s2  }
0xb: {  	[smem:$0x3FAF] =	sst s3  }
0xc: {  	[smem:$0x3FB0] =	sst s4  }
0xd: {  	[smem:$0x3FB1] =	sst s5  }
0xe: {  	[smem:$0x3FB2] =	sst s6  }
0xf: {  	[smem:$0x3FB3] =	sst s7  }
0x10: {  	[smem:$0x3FB4] =	sst s8  }
0x11: {  	[smem:$0x3FB5] =	sst s9;
	s0 =	simm.s32 @!p0 $0x0  }
0x12: {  	s1 =	sld [smem:$0x3F9B];
	s0 =	simm.s32 @p0 $0x1  }
0x13: {  	[smem:$0x3FB6] =	sst s0;
	s0 =	simm.s32 @!p1 $0x0  }
0x14: {  	s2 =	sld [smem:$0x3F9A];
	s0 =	simm.s32 @p1 $0x1  }
0x15: {  	[smem:$0x3FB7] =	sst s0;
	s0 =	simm.s32 @!p2 $0x0  }
0x16: {  	s3 =	sld [smem:$0x3FDB];
	s0 =	simm.s32 @p2 $0x1  }
0x17: {  	s4 =	simm.s32 $0x1BF5;
	[smem:$0x3FB9] =	sst s0  }
0x18: {  	s0 =	sld [smem:$0x3F9C];
	_ =	swait.ge [sflag:s4], $0x0  }
0x19: {  	s7 =	sld [smem:$0x3F9D]  }
0x1a: {  	s8 =	sadd.s32 $0xFFFFE003, lr  }
0x1b: {  	s9 =	sadd.s32 $0xFFFFFEF7, lr;
	s5 =	simm.s32 $0xFFFFFFFF;
	p2 =	slt.u32 s8, $0xFFFFF086  }
0x1c: {  	p1 =	slt.u32 s9, $0xF7A;
	s5 =	simm.s32 @!p2 $0x0  }
0x1d: {  	s5 =	simm.s32 @p1 $0x1;
	p0 =	seq.s32 s7, s2  }
0x1e: {  	s7 =	smul.u32 @!p0 $0xF7A, s2;
	p2 =	seq.s32 @!p0 s5, $0x0  }
0x1f: {  	s9 =	smul.u32 $0xF7A, s1;
	s8 =	simm.s32 @!p0 $0x1BF5;
	p2 =	por !p2, p0  }
0x20: {  	[sflag:s8] =	ssyncset.s32 @!p0 $0xFFFFF086;
	s6 =	sadd.s32 @!p0 s3, s7;
	s7 =	simm.s32 @!p0 $0x108  }
0x21: {  	s3 =	sadd.s32 s3, s9;
	s6 =	sadd.s32 @!p0 $0x88, s6;
	s7 =	simm.s32 @p2 $0x1082  }
0x22: {  	[simem:s7], [sflag:s8] =	dma.local @!p0 [hbm:s6], $0xF7A  }
0x23: {  	s9 =	sor.u32 $0xD0000000, s2;
	s6 =	simm.s32 $0x108;
	_ =	swait.ge @!p0 [sflag:s8], $0x0  }
0x24: {  	s3 =	sadd.s32 $0x88, s3;
	s6 =	simm.s32 @!p1 $0x1082;
	[sflag:s4] =	ssyncset.s32 $0xFFFFF086  }
0x25: {  	[simem:s6], [sflag:s4] =	dma.local [hbm:s3], $0xF7A  }
0x26: {  	[smem:$0x3F9D] =	sst s1;
	(tag) =	ssettag s2;
	_ =	strace s9  }
0x27: {  	s1 =	sld [smem:$0x3FAD]  }
0x28: {  	s2 =	sld [smem:$0x3FAE]  }
0x29: {  	s4 =	sld [smem:$0x3FB0]  }
0x2a: {  	p0 =	seq.s32 s5, $0x0;
	s5 =	sld [smem:$0x3FB1]  }
0x2b: {  	s6 =	sld [smem:$0x3FB2]  }
0x2c: {  	s7 =	sld [smem:$0x3FB3]  }
0x2d: {  	s3 =	simm.s32 $0x108;
	s8 =	sld [smem:$0x3FB4]  }
0x2e: {  	s3 =	simm.s32 @!p0 $0x1082;
	s9 =	sld [smem:$0x3FB5]  }
0x2f: {  	lr =	sadd.s32 s0, s3;
	s0 =	sld [smem:$0x3FAC]  }
0x30: {  	s3 =	sld [smem:$0x3FAF]  }
0x31: {  	[smem:$0x3FB8] =	sst s10  }
0x32: {  	s10 =	sld [smem:$0x3FB6];
	_ =	sdelay $0x3  }
0x33: {  	p0 =	seq.s32 s10, $0x1;
	s10 =	sld [smem:$0x3FB8];
	_ =	sdelay $0x3  }
0x34: {  	[smem:$0x3FB8] =	sst s10  }
0x35: {  	s10 =	sld [smem:$0x3FB7];
	_ =	sdelay $0x3  }
0x36: {  	p1 =	seq.s32 s10, $0x1;
	s10 =	sld [smem:$0x3FB8];
	_ =	sdelay $0x3  }
0x37: {  	[smem:$0x3FB8] =	sst s10  }
0x38: {  	s10 =	sld [smem:$0x3FB9]  }
0x39: {  	_ = 	snop;
	(pc) =	sbr.ind lr, $3  }
0x3a: {  	_ = 	snop  }
0x3b: {  	_ = 	snop  }
0x3c: {  	p2 =	seq.s32 s10, $0x1;
	s10 =	sld [smem:$0x3FB8]  }
0x3d: {  	_ =	shalt  }
0x3e: {  	_ =	shalt  }
0x3f: {  	_ =	shalt  }
0x40: {  	_ =	shalt  }
0x41: {  	_ =	shalt  }
0x42: {  	_ =	shalt  }
0x43: {  	_ =	shalt  }
0x44: {  	_ =	shalt  }
0x45: {  	_ =	shalt  }
0x46: {  	_ =	shalt  }
0x47: {  	_ =	shalt  }
0x48: {  	_ =	shalt  }
0x49: {  	_ =	shalt  }
0x4a: {  	_ =	shalt  }
0x4b: {  	_ =	shalt  }
0x4c: {  	_ =	shalt  }
0x4d: {  	_ =	shalt  }
0x4e: {  	_ =	shalt  }
0x4f: {  	_ =	shalt  }
0x50: {  	_ =	shalt  }
0x51: {  	_ =	shalt  }
0x52: {  	_ =	shalt  }
0x53: {  	_ =	shalt  }
0x54: {  	_ =	shalt  }
0x55: {  	_ =	shalt  }
0x56: {  	_ =	shalt  }
0x57: {  	_ =	shalt  }
0x58: {  	_ =	shalt  }
0x59: {  	_ =	shalt  }
0x5a: {  	_ =	shalt  }
0x5b: {  	_ =	shalt  }
0x5c: {  	_ =	shalt  }
0x5d: {  	_ =	shalt  }
0x5e: {  	_ =	shalt  }
0x5f: {  	_ =	shalt  }
0x60: {  	_ =	shalt  }
0x61: {  	_ =	shalt  }
0x62: {  	_ =	shalt  }
0x63: {  	_ =	shalt  }
0x64: {  	_ =	shalt  }
0x65: {  	_ =	shalt  }
0x66: {  	_ =	shalt  }
0x67: {  	_ =	shalt  }
0x68: {  	_ =	shalt  }
0x69: {  	_ =	shalt  }
0x6a: {  	_ =	shalt  }
0x6b: {  	_ =	shalt  }
0x6c: {  	_ =	shalt  }
0x6d: {  	_ =	shalt  }
0x6e: {  	_ =	shalt  }
0x6f: {  	_ =	shalt  }
0x70: {  	_ =	shalt  }
0x71: {  	_ =	shalt  }
0x72: {  	_ =	shalt  }
0x73: {  	_ =	shalt  }
0x74: {  	_ =	shalt  }
0x75: {  	_ =	shalt  }
0x76: {  	_ =	shalt  }
0x77: {  	_ =	shalt  }
0x78: {  	_ =	shalt  }
0x79: {  	_ =	shalt  }
0x7a: {  	_ =	shalt  }
0x7b: {  	_ =	shalt  }
0x7c: {  	_ =	shalt  }
0x7d: {  	_ =	shalt  }
0x7e: {  	_ =	shalt  }
0x7f: {  	_ =	shalt  }
0x80: {  	_ =	shalt  }
0x81: {  	_ =	shalt  }
0x82: {  	_ =	shalt  }
0x83: {  	_ =	shalt  }
0x84: {  	_ =	shalt  }
0x85: {  	_ =	shalt  }
0x86: {  	_ =	shalt  }
0x87: {  	_ =	shalt  }
.Lfunc_end0:
.L_simem_size_0:
called_computation_lowered:
.L_overlay_start_0:
0x88: {  	s2 =	sld [smem:$0x3FD9]  }
0x89: {  	s3 =	sld [smem:$0x3FFE];
	_ =	sdelay $0x1  }
0x8a: {  	s1 =	srdreg.scid  }
0x8b: {  	s0 =	sand.u32 $0x1, s1  }
0x8c: {  	s15 =	sshll.u32 s0, $0xA;
	s2 =	sadd.s32 s3, s2  }
0x8d: {  	s2 =	sadd.s32 s2, s15  }
0x8e: {  	[smem:$0x3FC4] =	sst s2  }
0x8f: {  	_ = 	snop  }
0x90: {  	s2 =	sld [smem:$0x3FD0];
	_ =	sdelay $0x2  }
0x91: {  	s4 =	simm.s32 $0xA;
	s5 =	simm.s32 $0x10;
	s16 =	sld [smem:$0x3FC8]  }
0x92: {  	[smem:s5], [sflag:s4] =	dma.local [hbm:s2], $0x1  }
0x93: {  	_ =	swait.eq [sflag:s4], $0x1  }
0x94: {  	[sflag:s4] =	ssyncset.done $0x0  }
0x95: {  	s17 =	sld [smem:$0x10];
	[sflag:s4] =	ssyncadd.s32 $0xFFFFFFFF  }
0x96: {  	s18 =	sld [smem:$0x11];
	(tm) =	ssettm $0x1  }
0x97: {  	s19 =	sld [smem:$0x3FFB];
	_ =	sdelay $0x3  }
0x98: {  	_ =	strace s19  }
0x99: {  	s5 =	sld [smem:$0x3FFC];
	_ =	sdelay $0x3  }
0x9a: {  	_ =	strace s5  }
0x9b: {  	s5 =	sld [smem:$0x3FFD];
	_ =	sdelay $0x3  }
0x9c: {  	_ =	strace s5  }
0x9d: {  	_ =	strace $0x8FFFFFFF  }
0x9e: {  	s20 =	sld [smem:$0x3FDB];
	_ =	sdelay $0x1  }
0x9f: {  	s6 =	simm.s32 $_scs_section_size  }
0xa0: {  	s7 =	simm.s32 $_size__tile_overlayer_lowered;
	s8 =	simm.s32 $_tile_overlayer_lowered  }
0xa1: {  	s23 =	simm.s32 $0x1BFF;
	s22 =	sshll.u32 s8, $0x1;
	s5 =	sadd.s32 s6, s20  }
0xa2: {  	s9 =	simm.s32 $0x0;
	s21 =	sshll.u32 s7, $0x1;
	s7 =	sadd.s32 s22, s5  }
0xa3: {  	[timem:s9], [sflag:s23] =	dma.local [hbm:s7], s21  }
0xa4: {  	_ =	swait.ge [sflag:s23], s21  }
0xa5: {  	s6 =	ssub.s32 $0x0, s21;
	[sflag:s23] =	ssyncset.done $0x0  }
0xa6: {  	[sflag:s23] =	ssyncadd.s32 s6;
	_ =	sdelay $0x1  }
0xa7: {  	s24 =	simm.s32 $0x1B8B  }
0xa8: {  	_ =	swait.ge [sflag:s24], $0x1  }
0xa9: {  	[sflag:s24] =	ssyncset.done $0x0  }
0xaa: {  	s25 =	simm.s32 $0x1B8E;
	[sflag:s24] =	ssyncadd.s32 $0xFFFFFFFF  }
0xab: {  	s26 =	simm.s32 $execute0_lowered;
	[smem:$0x3FD2] =	sst s25  }
0xac: {  	s6 =	sshll.u32 s26, $0x1;
	_ =	strace $0x80000046;
	[dreg:$0x1] =	wrdreg $0xFFFFFFFF  }
0xad: {  	s28 =	simm.s32 $_size_execute0_lowered;
	s5 =	sadd.s32 s5, s6;
	[dreg:$0x0] =	wrdreg $0x0  }
0xae: {  	s6 =	sshll.u32 s28, $0x1;
	[dreg:$0x2] =	wrdreg s5  }
0xaf: {  	[dreg:$0x3] =	wrdreg s6  }
0xb0: {  	[dreg:$0x4] =	wrdreg $0xC0  }
0xb1: {  	_ =	task [dreg:s9], $0x5FFFF  }
0xb2: {  	[dreg:$0x1] =	wrdreg $0xFFFFFFFF  }
0xb3: {  	[dreg:$0x0] =	wrdreg $0x60  }
0xb4: {  	[dreg:$0x2] =	wrdreg s16  }
0xb5: {  	[dreg:$0x3] =	wrdreg s18  }
0xb6: {  	[dreg:$0x4] =	wrdreg s17  }
0xb7: {  	[dreg:$0x5] =	wrdreg $0x9  }
0xb8: {  	_ =	task.clear_ibuf [dreg:s9], $0x6FFFF;
	_ =	strace $0x90000046  }
0xb9: {  	s29 =	simm.s32 $0x9;
	_ =	strace $0x80000048  }
0xba: {  	_ =	swait.ge [sflag:s29], $0x1  }
0xbb: {  	[sflag:s29] =	ssyncadd.s32 $0xFFFFFFFF  }
0xbc: {  	_ =	strace $0x90000048  }
0xbd: {  	_ =	sfence  }
0xbe: {  	s30 =	sld [smem:$0x0];
	_ =	sdelay $0x2  }
0xbf: {  	s31 =	sshll.u32 s1, $0xD;
	s1 =	sshrl.u32 s1, $0x2  }
0xc0: {  	s3 =	sand.u32 $0x4000, s31;
	s1 =	sadd.s32 s1, s30  }
0xc1: {  	s0 =	sor.u32 s3, s0;
	s1 =	sshll.u32 s1, $0x11  }
0xc2: {  	s0 =	sor.u32 s1, s0  }
0xc3: {  	s0 =	sadd.s32 $0x8F2B, s0  }
0xc4: {  	[sflag:s0] =	ssyncadd.remote.s32 $0x1  }
0xc5: {  	_ =	sfence.sel $0xFFFF  }
0xc6: {  	[dreg:$0x0] =	wrdreg $0xFFFFFFFF;
	(pc) =	sbr.abs _section_cstart, $3  }
0xc7: {  	[dreg:$0x1] =	wrdreg $0xFFFFFFFF  }
0xc8: {  	_ =	task.clear_ibuf [dreg:s9], $0x2FFFF;
	_ =	strace $0x9FFFFFFF  }
0xc9: {  	(tm) =	ssettm $0x7FFFFFFF  }
tec
execute0_lowered:
.L_overlay_start_1:
0x0: {  	(tag) =	ssettag $0x1  }
0x1: {  	s1 =	rddreg [dreg:$0x0]  }
0x2: {  	s4 =	rddreg [dreg:$0x1]  }
0x3: {  	s5 =	rddreg [dreg:$0x2]  }
0x4: {  	s0 =	rddreg [dreg:$0x3];
	s3 =	simm.s32 $0x0;
	s6 =	srdreg.scid  }
0x5: {  	s2 =	stileid.u32;
	s10 =	simm.s32 $0x1080;
	s11 =	simm.s32 $0x1880  }
0x6: {  	s12 =	simm.s32 $0x2080;
	s13 =	simm.s32 $0x2880;
	s14 =	simm.s32 $0x3080  }
0x7: {  	s15 =	simm.s32 $0x3880;
	s16 =	simm.s32 $0x4080;
	s17 =	simm.s32 $0x4880  }
0x8: {  	s18 =	simm.s32 $0x5080;
	s19 =	simm.s32 $0x5880;
	s20 =	simm.s32 $0x6080  }
0x9: {  	s21 =	simm.s32 $0x6880;
	s22 =	simm.s32 $0x7080;
	s23 =	simm.s32 $0x7880  }
0xa: {  	s24 =	simm.s32 $0x1;
	[smem:$0x7FF] =	sst s3;
	s6 =	sand.u32 $0x1, s6  }
0xb: {  	s8 =	sshll.u32 s2, $0x8;
	s7 =	ssub.s32 $0x2, s6;
	s6 =	sshll.u32 s6, $0x7  }
0xc: {  	_ =	strace $0x80000047;
	s9 =	sshrl.u32 s7, $0x1;
	s6 =	sor.u32 s6, s8  }
0xd: {  	v2 =	vlaneseq.u32;
	s7 =	ssub.s32 s7, s9;
	s8 =	sshrl.u32 s6, $0x3;
	s6 =	sshll.u32 s6, $0x5  }
0xe: {  	vm0 =	vmmov $0xffff;
	v1 =	vshrl.u32 v2, $0x3;
	s9 =	simm.s32 $0x880;
	s4 =	sadd.s32 s4, s8;
	s5 =	sadd.s32 s5, s6  }
0xf: {  	v0 =	vand.u32 $0x7, v2;
	v2 =	vor.u32 $0x8, v2;
	v1 =	vmul.u32 $0x8, v1;
	s6 =	smax.u32 s7, $0x1;
	s7 =	simm.s32 $0x2;
	s8 =	simm.s32 $0x80  }
.LBB2_1:
0x10: {  	[tilespmem:s3], [sflag:$0x2] =	stream.linear.gather [hbm4b:s4+s3], $0x80, $0x38;
	[tilespmem:$0x8080] =	vst v63  }
0x11: {  	_ =	swait.ge [sflag:s7], $0x80  }
0x12: {  	[sflag:s7] =	ssyncset.done $0x0  }
0x13: {  	[sflag:s7] =	ssyncadd.s32 $0xFFFFFF80  }
0x14: {  	v3 =	vld [tilespmem:$0x0];
	_ =	sdelay $0x4  }
0x15: {  	v4 =	vshll.u32 v3, $0x1  }
0x16: {  	v3 =	vand.u32 $0x7, v3;
	v4 =	vand.u32 $0xFFFFFFF0, v4  }
0x17: {  	v3 =	vor.u32 v3, v4  }
0x18: {  	v4 =	vperm.xlane v3, v0;
	_ =	sdelay $0x1  }
0x19: {  	v3 =	vperm.xlane v3, v2;
	v4 =	vadd.s32 v1, v4;
	_ =	sdelay $0x1  }
0x1a: {  	v3 =	vadd.s32 v1, v3;
	_ =	sdelay $0x2  }
0x1b: {  	[tilespmem:s8], [sflag:$0x1] =	stream.indirect_vreg.gather [hbm4b:s1+s3], $0x80, v4, vm0, $0xb8;
	[tilespmem:$0x8080] =	vst v63  }
0x1c: {  	_ = 	snop  }
0x1d: {  	[tilespmem:s9], [sflag:$0x1] =	stream.indirect_vreg.gather [hbm4b:s1+s3], $0x80, v3, vm0, $0xb8;
	[tilespmem:$0x8080] =	vst v63  }
0x1e: {  	v3 =	vld [tilespmem:$0x10];
	_ =	sdelay $0x4  }
0x1f: {  	v57 =	vshll.u32 v3, $0x1  }
0x20: {  	v3 =	vand.u32 $0x7, v3;
	v4 =	vand.u32 $0xFFFFFFF0, v57  }
0x21: {  	v3 =	vor.u32 v3, v4  }
0x22: {  	v4 =	vperm.xlane v3, v0;
	_ =	sdelay $0x1  }
0x23: {  	v3 =	vperm.xlane v3, v2;
	v4 =	vadd.s32 v1, v4;
	_ =	sdelay $0x1  }
0x24: {  	v3 =	vadd.s32 v1, v3;
	_ =	sdelay $0x2  }
0x25: {  	[tilespmem:s10], [sflag:$0x1] =	stream.indirect_vreg.gather [hbm4b:s1+s3], $0x80, v4, vm0, $0xb8;
	[tilespmem:$0x8080] =	vst v63  }
0x26: {  	_ = 	snop  }
0x27: {  	[tilespmem:s11], [sflag:$0x1] =	stream.indirect_vreg.gather [hbm4b:s1+s3], $0x80, v3, vm0, $0xb8;
	[tilespmem:$0x8080] =	vst v63  }
0x28: {  	v3 =	vld [tilespmem:$0x20];
	_ =	sdelay $0x4  }
0x29: {  	v58 =	vshll.u32 v3, $0x1  }
0x2a: {  	v3 =	vand.u32 $0x7, v3;
	v4 =	vand.u32 $0xFFFFFFF0, v58  }
0x2b: {  	v3 =	vor.u32 v3, v4  }
0x2c: {  	v4 =	vperm.xlane v3, v0;
	_ =	sdelay $0x1  }
0x2d: {  	v3 =	vperm.xlane v3, v2;
	v4 =	vadd.s32 v1, v4;
	_ =	sdelay $0x1  }
0x2e: {  	v3 =	vadd.s32 v1, v3;
	_ =	sdelay $0x2  }
0x2f: {  	[tilespmem:s12], [sflag:$0x1] =	stream.indirect_vreg.gather [hbm4b:s1+s3], $0x80, v4, vm0, $0xb8;
	[tilespmem:$0x8080] =	vst v63  }
0x30: {  	_ = 	snop  }
0x31: {  	[tilespmem:s13], [sflag:$0x1] =	stream.indirect_vreg.gather [hbm4b:s1+s3], $0x80, v3, vm0, $0xb8;
	[tilespmem:$0x8080] =	vst v63  }
0x32: {  	v3 =	vld [tilespmem:$0x30];
	_ =	sdelay $0x4  }
0x33: {  	v59 =	vshll.u32 v3, $0x1  }
0x34: {  	v3 =	vand.u32 $0x7, v3;
	v4 =	vand.u32 $0xFFFFFFF0, v59  }
0x35: {  	v3 =	vor.u32 v3, v4  }
0x36: {  	v4 =	vperm.xlane v3, v0;
	_ =	sdelay $0x1  }
0x37: {  	v3 =	vperm.xlane v3, v2;
	v4 =	vadd.s32 v1, v4;
	_ =	sdelay $0x1  }
0x38: {  	v3 =	vadd.s32 v1, v3;
	_ =	sdelay $0x2  }
0x39: {  	[tilespmem:s14], [sflag:$0x1] =	stream.indirect_vreg.gather [hbm4b:s1+s3], $0x80, v4, vm0, $0xb8;
	[tilespmem:$0x8080] =	vst v63  }
0x3a: {  	_ = 	snop  }
0x3b: {  	[tilespmem:s15], [sflag:$0x1] =	stream.indirect_vreg.gather [hbm4b:s1+s3], $0x80, v3, vm0, $0xb8;
	[tilespmem:$0x8080] =	vst v63  }
0x3c: {  	v3 =	vld [tilespmem:$0x40];
	_ =	sdelay $0x4  }
0x3d: {  	v60 =	vshll.u32 v3, $0x1  }
0x3e: {  	v3 =	vand.u32 $0x7, v3;
	v4 =	vand.u32 $0xFFFFFFF0, v60  }
0x3f: {  	v3 =	vor.u32 v3, v4  }
0x40: {  	v4 =	vperm.xlane v3, v0;
	_ =	sdelay $0x1  }
0x41: {  	v3 =	vperm.xlane v3, v2;
	v4 =	vadd.s32 v1, v4;
	_ =	sdelay $0x1  }
0x42: {  	v3 =	vadd.s32 v1, v3;
	_ =	sdelay $0x2  }
0x43: {  	[tilespmem:s16], [sflag:$0x1] =	stream.indirect_vreg.gather [hbm4b:s1+s3], $0x80, v4, vm0, $0xb8;
	[tilespmem:$0x8080] =	vst v63  }
0x44: {  	_ = 	snop  }
0x45: {  	[tilespmem:s17], [sflag:$0x1] =	stream.indirect_vreg.gather [hbm4b:s1+s3], $0x80, v3, vm0, $0xb8;
	[tilespmem:$0x8080] =	vst v63  }
0x46: {  	v3 =	vld [tilespmem:$0x50];
	_ =	sdelay $0x4  }
0x47: {  	v61 =	vshll.u32 v3, $0x1  }
0x48: {  	v3 =	vand.u32 $0x7, v3;
	v4 =	vand.u32 $0xFFFFFFF0, v61  }
0x49: {  	v3 =	vor.u32 v3, v4  }
0x4a: {  	v4 =	vperm.xlane v3, v0;
	_ =	sdelay $0x1  }
0x4b: {  	v3 =	vperm.xlane v3, v2;
	v4 =	vadd.s32 v1, v4;
	_ =	sdelay $0x1  }
0x4c: {  	v3 =	vadd.s32 v1, v3;
	_ =	sdelay $0x2  }
0x4d: {  	[tilespmem:s18], [sflag:$0x1] =	stream.indirect_vreg.gather [hbm4b:s1+s3], $0x80, v4, vm0, $0xb8;
	[tilespmem:$0x8080] =	vst v63  }
0x4e: {  	_ = 	snop  }
0x4f: {  	[tilespmem:s19], [sflag:$0x1] =	stream.indirect_vreg.gather [hbm4b:s1+s3], $0x80, v3, vm0, $0xb8;
	[tilespmem:$0x8080] =	vst v63  }
0x50: {  	v3 =	vld [tilespmem:$0x60];
	_ =	sdelay $0x4  }
0x51: {  	v62 =	vshll.u32 v3, $0x1  }
0x52: {  	v3 =	vand.u32 $0x7, v3;
	v4 =	vand.u32 $0xFFFFFFF0, v62  }
0x53: {  	v3 =	vor.u32 v3, v4  }
0x54: {  	v4 =	vperm.xlane v3, v0;
	_ =	sdelay $0x1  }
0x55: {  	v3 =	vperm.xlane v3, v2;
	v4 =	vadd.s32 v1, v4;
	_ =	sdelay $0x1  }
0x56: {  	v3 =	vadd.s32 v1, v3;
	_ =	sdelay $0x2  }
0x57: {  	[tilespmem:s20], [sflag:$0x1] =	stream.indirect_vreg.gather [hbm4b:s1+s3], $0x80, v4, vm0, $0xb8;
	[tilespmem:$0x8080] =	vst v63  }
0x58: {  	_ = 	snop  }
0x59: {  	[tilespmem:s21], [sflag:$0x1] =	stream.indirect_vreg.gather [hbm4b:s1+s3], $0x80, v3, vm0, $0xb8;
	[tilespmem:$0x8080] =	vst v63  }
0x5a: {  	v3 =	vld [tilespmem:$0x70];
	_ =	sdelay $0x4  }
0x5b: {  	v63 =	vshll.u32 v3, $0x1  }
0x5c: {  	v3 =	vand.u32 $0x7, v3;
	v4 =	vand.u32 $0xFFFFFFF0, v63  }
0x5d: {  	v3 =	vor.u32 v3, v4  }
0x5e: {  	v4 =	vperm.xlane v3, v0;
	_ =	sdelay $0x1  }
0x5f: {  	v3 =	vperm.xlane v3, v2;
	v4 =	vadd.s32 v1, v4;
	_ =	sdelay $0x1  }
0x60: {  	v3 =	vadd.s32 v1, v3;
	_ =	sdelay $0x2  }
0x61: {  	[tilespmem:s22], [sflag:$0x1] =	stream.indirect_vreg.gather [hbm4b:s1+s3], $0x80, v4, vm0, $0xb8;
	[tilespmem:$0x8080] =	vst v63  }
0x62: {  	_ = 	snop  }
0x63: {  	[tilespmem:s23], [sflag:$0x1] =	stream.indirect_vreg.gather [hbm4b:s1+s3], $0x80, v3, vm0, $0xb8;
	[tilespmem:$0x8080] =	vst v63  }
0x64: {  	_ =	swait.ge [sflag:s24], $0x8000  }
0x65: {  	p0 =	sne.s32 s6, $0x1;
	[sflag:s24] =	ssyncset.done $0x0  }
.Ltmp0:
0x66: {  	[sflag:s24] =	ssyncadd.s32 $0xFFFF8000;
	(pc) =	sbr.rel @p0 .LBB2_1-.Ltmp0, $4  }
0x67: {  	[hbm4b:s5+s3] =	stream.linear.scatter [tilespmem:s8], [sflag:$0x2], $0x8000, $0x38;
	[tilespmem:$0x8080] =	vst v63  }
0x68: {  	_ =	swait.ge [sflag:s7], $0x8000  }
0x69: {  	[sflag:s7] =	ssyncset.done $0x0  }
0x6a: {  	s6 =	sadd.s32 $0xFFFFFFFF, s6;
	[sflag:s7] =	ssyncadd.s32 $0xFFFF8000  }
0x6b: {  	_ =	sfence.sel $0x180000  }
0x6c: {  	[bflag:$0x0] =	sbarrier.arrive $0xFFFF  }
0x6d: {  	p0 =	sne.s32 s2, $0x0;
	_ =	strace $0x90000047  }
0x6e: {  	s0 =	sadd.s32 @!p0 $0x100000, s0;
	[bflag:$0x2] =	sbarrier.arrive $0xFFFF  }
0x6f: {  	[sflag:s0] =	ssyncadd.tile.s32 @!p0 $0x1;
	_ =	shalt  }
.Lfunc_end2:
_tile_overlayer_lowered:
.L_overlay_start_2:
0x70: {  	(tag) =	ssettag $0x2  }
0x71: {  	s0 =	rddreg [dreg:$0x0];
	s2 =	stileid.u32  }
0x72: {  	s1 =	rddreg [dreg:$0x1];
	p0 =	sne.s32 s2, $0x0  }
0x73: {  	s3 =	rddreg [dreg:$0x2];
	[bflag:$0x3] =	sbarrier.arrive $0xFFFF;
	s2 =	simm.s32 @!p0 $0x1C02  }
0x74: {  	[timem:s3], [sflag:s2] =	dma.local @!p0 [hbm:s0], s1  }
0x75: {  	s0 =	simm.s32 @!p0 $0x2  }
0x76: {  	_ =	swait.ge @!p0 [sflag:s0], s1  }
0x77: {  	s1 =	ssub.s32 @!p0 $0x0, s1;
	[sflag:s0] =	ssyncset.done @!p0 $0x0  }
0x78: {  	[sflag:s0] =	ssyncadd.s32 @!p0 s1  }
0x79: {  	[bflag:$0x3] =	sbarrier.arrive $0xFFFF  }
0x7a: {  	_ =	shalt  }

</sc_bundles>
